<compile_context>
chip_gen: v7x
topology: tpu7x:2x2x1
jax: 0.10.2.dev20260603
libtpu: 0.0.44.dev20260713+nightly
codegen_flags: <defaults>
</compile_context>

<pallas_src>
import jax
import jax.numpy as jnp
from jax import lax
from jax.experimental import pallas as pl
from jax.experimental.pallas import tpu as pltpu
from jax.experimental.pallas import tpu_sc as plsc

_BATCH = 16384
_NNODE = 4
_LANES = 128
_TILES = _BATCH // _LANES
_NWORKERS = 32
_T_PER_W = _TILES // _NWORKERS


def _tec_body(x_hbm, w_hbm, b_hbm, out_hbm, x_v, w_v, b_v):
    wid = lax.axis_index("s") * 2 + lax.axis_index("c")
    t0 = wid * _T_PER_W
    pltpu.sync_copy(x_hbm.at[pl.ds(t0, _T_PER_W)], x_v)
    pltpu.sync_copy(w_hbm, w_v)
    pltpu.sync_copy(b_hbm, b_v)

    scale = w_v[...] * jnp.float32(1.0 / 3.0)
    bias = b_v[...]

    def body(k, carry):
        t = k // 8
        sl = pl.ds((k % 8) * 16, 16)
        v = [x_v[t, r, sl] for r in range(_NNODE)]
        s = (v[0] + v[1]) + (v[2] + v[3])
        for r in range(_NNODE):
            x_v[t, r, sl] = (s - v[r]) * scale + bias
        return carry

    lax.fori_loop(0, _T_PER_W * 8, body, 0)

    pltpu.sync_copy(x_v, out_hbm.at[pl.ds(t0, _T_PER_W)])


@jax.jit
def kernel(input, W, b):
    xv = jnp.transpose(jnp.reshape(jnp.transpose(input), (_NNODE, _TILES, _LANES)),
                       (1, 0, 2))
    mesh = plsc.VectorSubcoreMesh(core_axis_name="c", subcore_axis_name="s")
    f = pl.kernel(
        _tec_body,
        mesh=mesh,
        out_type=jax.ShapeDtypeStruct((_TILES, _NNODE, _LANES), jnp.float32),
        compiler_params=pltpu.CompilerParams(needs_layout_passes=False, skip_device_barrier=True, disable_bounds_checks=True, disable_semaphore_checks=True),
        scratch_types=[
            pltpu.VMEM((_T_PER_W, _NNODE, _LANES), jnp.float32),
            pltpu.VMEM((16,), jnp.float32),
            pltpu.VMEM((16,), jnp.float32),
        ],
    )
    w16 = jnp.broadcast_to(jnp.reshape(W, ()), (16,)).astype(jnp.float32)
    b16 = jnp.broadcast_to(jnp.reshape(b, ()), (16,)).astype(jnp.float32)
    out = f(xv, w16, b16)
    return jnp.transpose(jnp.reshape(jnp.transpose(out, (1, 0, 2)),
                                     (_NNODE, _BATCH)))

# --- scband reference (transcript-rebuilt; emitter-appended) ---
"""Pipeline reference for scband-intermediate-gcn-58514634441024 (READ-ONLY COPY).

The authoritative reference and input builder live on the scoring server;
editing this copy changes nothing except your own understanding.
"""

import jax, jax.numpy as jnp
import numpy as np

# Fixed 4-node cartpole complete graph (no self-loops), as hardcoded in __init__
SRC = jnp.array([0, 0, 0, 1, 1, 1, 2, 2, 2, 3, 3, 3], dtype=jnp.int32)
DST = jnp.array([1, 2, 3, 0, 2, 3, 0, 1, 3, 0, 1, 2], dtype=jnp.int32)
N_NODES = 4
DEG = 3.0  # every node has in/out degree 3


def setup_inputs(seed: int = 0) -> dict:
    key = jax.random.key(seed)
    k1, k2, k3 = jax.random.split(key, 3)
    batch = 16384
    inp = jax.random.normal(k1, (batch, 4), dtype=jnp.float32)
    # GraphConv(1, 1) parameters: weight [1, 1], bias [1]
    W = jax.random.normal(k2, (1, 1), dtype=jnp.float32) * (1.0 / np.sqrt(1.0))
    b = jnp.zeros((1,), dtype=jnp.float32)
    return {"input": inp, "W": W, "b": b}


def reference(input, W, b):
    # input: [B, 4] -> transpose + unsqueeze -> [4, B, 1] node features
    x = jnp.transpose(input)[..., None]  # [4, B, 1]
    # DGL GraphConv with norm='both': h_i = (1/sqrt(d_i)) * sum_j (1/sqrt(d_j)) x_j W + b
    h = x * (DEG ** -0.5)                 # source-side normalization
    msgs = jnp.take(h, SRC, axis=0)        # gather messages along edges [12, B, 1]
    agg = jnp.zeros_like(x).at[DST].add(msgs)  # scatter-add to destination nodes
    agg = agg * (DEG ** -0.5)              # destination-side normalization
    out = agg @ W + b                      # [4, B, 1]
    # squeeze(-1).t() -> [B, 4]
    return jnp.transpose(out[..., 0])

if __name__ == "__main__":
    import jax
    _d = setup_inputs()
    print(jax.jit(kernel)(*tuple(_d.values())))

</pallas_src>

<mosaic_0001>
#map = affine_map<(d0, d1) -> (0, 0, 0)>
#map1 = affine_map<(d0, d1) -> (0)>
module attributes {stable_mosaic.version = 14 : i64} {
  func.func @_tec_body(%arg0: i32, %arg1: i32, %arg2: memref<128x4x128xf32, #tpu.memory_space<hbm>>, %arg3: memref<16xf32, #tpu.memory_space<hbm>>, %arg4: memref<16xf32, #tpu.memory_space<hbm>>, %arg5: memref<128x4x128xf32, #tpu.memory_space<hbm>>, %arg6: memref<4x4x128xf32, #tpu.memory_space<vmem>>, %arg7: memref<16xf32, #tpu.memory_space<vmem>>, %arg8: memref<16xf32, #tpu.memory_space<vmem>>) attributes {dimension_semantics = [#tpu.dimension_semantics<core_parallel>, #tpu.dimension_semantics<subcore_parallel>], iteration_bounds = array<i64: 2, 16>, scalar_prefetch = 0 : i64, scratch_operands = 3 : i64, tpu.core_type = #tpu.core_type<sc_vector_subcore>, window_params = [{transform_indices = #map}, {transform_indices = #map1}, {transform_indices = #map1}, {transform_indices = #map}]} {
    %mul3A = arith.constant 2 : i32
    %mul3A_0 = arith.muli %arg1, %mul3A : i32
    %add3A = arith.addi %mul3A_0, %arg0 : i32
    %mul3A_1 = arith.constant 4 : i32
    %mul3A_2 = arith.muli %add3A, %mul3A_1 : i32
    "tpu.region"() ({
      %run_scoped3A = tpu.sem_alloc : memref<!tpu.dma_semaphore, #tpu.memory_space<semaphore_mem>>
      %dma_start3A = arith.constant 0 : i32
      %dma_start3A_14 = arith.constant 0 : i32
      %dma_start3A_15 = tpu.memref_slice %arg2[%mul3A_2, %dma_start3A, %dma_start3A_14] : memref<128x4x128xf32, #tpu.memory_space<hbm>> -> memref<4x4x128xf32, #tpu.memory_space<hbm>>
      %dma_start3A_16 = arith.constant 0 : i32
      %dma_start3A_17 = arith.constant 0 : i32
      %dma_start3A_18 = tpu.memref_slice %arg2[%mul3A_2, %dma_start3A_16, %dma_start3A_17] : memref<128x4x128xf32, #tpu.memory_space<hbm>> -> memref<4x4x128xf32, #tpu.memory_space<hbm>>
      tpu.enqueue_dma source(%dma_start3A_18 : memref<4x4x128xf32, #tpu.memory_space<hbm>>) target(%arg6 : memref<4x4x128xf32, #tpu.memory_space<vmem>>) target_semaphore(%run_scoped3A : memref<!tpu.dma_semaphore, #tpu.memory_space<semaphore_mem>>)
      %dma_wait3A = arith.constant 0 : i32
      %dma_wait3A_19 = arith.constant 0 : i32
      %dma_wait3A_20 = tpu.memref_slice %arg2[%mul3A_2, %dma_wait3A, %dma_wait3A_19] : memref<128x4x128xf32, #tpu.memory_space<hbm>> -> memref<4x4x128xf32, #tpu.memory_space<hbm>>
      %dma_wait3A_21 = arith.constant 0 : i32
      %dma_wait3A_22 = arith.constant 0 : i32
      %dma_wait3A_23 = tpu.memref_slice %arg2[%mul3A_2, %dma_wait3A_21, %dma_wait3A_22] : memref<128x4x128xf32, #tpu.memory_space<hbm>> -> memref<4x4x128xf32, #tpu.memory_space<hbm>>
      tpu.wait_dma2 semaphore(%run_scoped3A : memref<!tpu.dma_semaphore, #tpu.memory_space<semaphore_mem>>) src(%dma_wait3A_23 : memref<4x4x128xf32, #tpu.memory_space<hbm>>) dst(%arg6 : memref<4x4x128xf32, #tpu.memory_space<vmem>>)
      tpu.yield
    }) : () -> ()
    "tpu.region"() ({
      %run_scoped3A = tpu.sem_alloc : memref<!tpu.dma_semaphore, #tpu.memory_space<semaphore_mem>>
      tpu.enqueue_dma source(%arg3 : memref<16xf32, #tpu.memory_space<hbm>>) target(%arg7 : memref<16xf32, #tpu.memory_space<vmem>>) target_semaphore(%run_scoped3A : memref<!tpu.dma_semaphore, #tpu.memory_space<semaphore_mem>>)
      tpu.wait_dma2 semaphore(%run_scoped3A : memref<!tpu.dma_semaphore, #tpu.memory_space<semaphore_mem>>) src(%arg3 : memref<16xf32, #tpu.memory_space<hbm>>) dst(%arg7 : memref<16xf32, #tpu.memory_space<vmem>>)
      tpu.yield
    }) : () -> ()
    "tpu.region"() ({
      %run_scoped3A = tpu.sem_alloc : memref<!tpu.dma_semaphore, #tpu.memory_space<semaphore_mem>>
      tpu.enqueue_dma source(%arg4 : memref<16xf32, #tpu.memory_space<hbm>>) target(%arg8 : memref<16xf32, #tpu.memory_space<vmem>>) target_semaphore(%run_scoped3A : memref<!tpu.dma_semaphore, #tpu.memory_space<semaphore_mem>>)
      tpu.wait_dma2 semaphore(%run_scoped3A : memref<!tpu.dma_semaphore, #tpu.memory_space<semaphore_mem>>) src(%arg4 : memref<16xf32, #tpu.memory_space<hbm>>) dst(%arg8 : memref<16xf32, #tpu.memory_space<vmem>>)
      tpu.yield
    }) : () -> ()
    %get3A = arith.constant 0 : index
    %get3A_3 = tpu.vector_load %arg7[%get3A] {strides = array<i32>} : memref<16xf32, #tpu.memory_space<vmem>>, vector<16xf32>,
    %mul3A_4 = arith.constant 0.333333343 : f32
    %mul3A_5 = vector.broadcast %mul3A_4 : f32 to vector<16xf32>
    %mul3A_6 = arith.mulf %get3A_3, %mul3A_5 : vector<16xf32>
    %get3A_7 = arith.constant 0 : index
    %get3A_8 = tpu.vector_load %arg8[%get3A_7] {strides = array<i32>} : memref<16xf32, #tpu.memory_space<vmem>>, vector<16xf32>,
    %scan3A = arith.constant 0 : i32
    %scan3A_9 = arith.constant 0 : i32
    %scan3A_10 = arith.constant 32 : i32
    %scan3A_11 = arith.addi %scan3A_9, %scan3A_10 : i32
    %scan3A_12 = arith.constant 1 : i32
    scf.for %scan3A_14 = %scan3A_9 to %scan3A_11 step %scan3A_12  : i32 {
      %jit3A = arith.constant 8 : i32
      %div3A = arith.divsi %scan3A_14, %jit3A : i32
      %sign3A = arith.constant 0 : i32
      %sign3A_15 = arith.cmpi sgt, %scan3A_14, %sign3A : i32
      %sign3A_16 = arith.extui %sign3A_15 : i1 to i32
      %sign3A_17 = arith.constant 0 : i32
      %sign3A_18 = arith.cmpi slt, %scan3A_14, %sign3A_17 : i32
      %sign3A_19 = arith.extui %sign3A_18 : i1 to i32
      %sign3A_20 = arith.subi %sign3A_16, %sign3A_19 : i32
      %sign3A_21 = arith.constant 0 : i32
      %sign3A_22 = arith.cmpi sgt, %jit3A, %sign3A_21 : i32
      %sign3A_23 = arith.extui %sign3A_22 : i1 to i32
      %sign3A_24 = arith.constant 0 : i32
      %sign3A_25 = arith.cmpi slt, %jit3A, %sign3A_24 : i32
      %sign3A_26 = arith.extui %sign3A_25 : i1 to i32
      %sign3A_27 = arith.subi %sign3A_23, %sign3A_26 : i32
      %ne3A = arith.cmpi ne, %sign3A_20, %sign3A_27 : i32
      %rem3A = arith.remsi %scan3A_14, %jit3A : i32
      %ne3A_28 = arith.constant 0 : i32
      %ne3A_29 = arith.cmpi ne, %rem3A, %ne3A_28 : i32
      %and3A = arith.andi %ne3A, %ne3A_29 : i1
      %sub3A = arith.constant 1 : i32
      %sub3A_30 = arith.subi %div3A, %sub3A : i32
      %select_n3A = arith.select %and3A, %sub3A_30, %div3A : i32
      %jit3A_31 = arith.constant 8 : i32
      %eq3A = arith.constant 0 : i32
      %eq3A_32 = arith.cmpi eq, %jit3A_31, %eq3A : i32
      %jit3A_33 = arith.constant 1 : i32
      %select_n3A_34 = arith.select %eq3A_32, %jit3A_33, %jit3A_31 : i32
      %rem3A_35 = arith.remsi %scan3A_14, %select_n3A_34 : i32
      %ne3A_36 = arith.constant 0 : i32
      %ne3A_37 = arith.cmpi ne, %rem3A_35, %ne3A_36 : i32
      %lt3A = arith.constant 0 : i32
      %lt3A_38 = arith.cmpi slt, %rem3A_35, %lt3A : i32
      %lt3A_39 = arith.constant 0 : i32
      %lt3A_40 = arith.cmpi slt, %select_n3A_34, %lt3A_39 : i32
      %ne3A_41 = arith.xori %lt3A_38, %lt3A_40 : i1
      %and3A_42 = arith.andi %ne3A_41, %ne3A_37 : i1
      %add3A_43 = arith.addi %rem3A_35, %select_n3A_34 : i32
      %select_n3A_44 = arith.select %and3A_42, %add3A_43, %rem3A_35 : i32
      %mul3A_45 = arith.constant 16 : i32
      %mul3A_46 = arith.muli %select_n3A_44, %mul3A_45 : i32
      %get3A_47 = arith.constant 0 : i32
      %get3A_48 = arith.index_cast %select_n3A : i32 to index
      %get3A_49 = arith.index_cast %get3A_47 : i32 to index
      %get3A_50 = arith.index_cast %mul3A_46 : i32 to index
      %get3A_51 = tpu.vector_load %arg6[%get3A_48, %get3A_49, %get3A_50] {strides = array<i32>} : memref<4x4x128xf32, #tpu.memory_space<vmem>>, vector<16xf32>,
      %get3A_52 = arith.constant 1 : i32
      %get3A_53 = arith.index_cast %select_n3A : i32 to index
      %get3A_54 = arith.index_cast %get3A_52 : i32 to index
      %get3A_55 = arith.index_cast %mul3A_46 : i32 to index
      %get3A_56 = tpu.vector_load %arg6[%get3A_53, %get3A_54, %get3A_55] {strides = array<i32>} : memref<4x4x128xf32, #tpu.memory_space<vmem>>, vector<16xf32>,
      %get3A_57 = arith.constant 2 : i32
      %get3A_58 = arith.index_cast %select_n3A : i32 to index
      %get3A_59 = arith.index_cast %get3A_57 : i32 to index
      %get3A_60 = arith.index_cast %mul3A_46 : i32 to index
      %get3A_61 = tpu.vector_load %arg6[%get3A_58, %get3A_59, %get3A_60] {strides = array<i32>} : memref<4x4x128xf32, #tpu.memory_space<vmem>>, vector<16xf32>,
      %get3A_62 = arith.constant 3 : i32
      %get3A_63 = arith.index_cast %select_n3A : i32 to index
      %get3A_64 = arith.index_cast %get3A_62 : i32 to index
      %get3A_65 = arith.index_cast %mul3A_46 : i32 to index
      %get3A_66 = tpu.vector_load %arg6[%get3A_63, %get3A_64, %get3A_65] {strides = array<i32>} : memref<4x4x128xf32, #tpu.memory_space<vmem>>, vector<16xf32>,
      %add3A_67 = arith.addf %get3A_51, %get3A_56 : vector<16xf32>
      %add3A_68 = arith.addf %get3A_61, %get3A_66 : vector<16xf32>
      %add3A_69 = arith.addf %add3A_67, %add3A_68 : vector<16xf32>
      %sub3A_70 = arith.subf %add3A_69, %get3A_51 : vector<16xf32>
      %mul3A_71 = arith.mulf %sub3A_70, %mul3A_6 : vector<16xf32>
      %add3A_72 = arith.addf %mul3A_71, %get3A_8 : vector<16xf32>
      %swap3A = arith.constant 0 : i32
      %swap3A_73 = arith.index_cast %select_n3A : i32 to index
      %swap3A_74 = arith.index_cast %swap3A : i32 to index
      %swap3A_75 = arith.index_cast %mul3A_46 : i32 to index
      %swap3A_76 = tpu.vector_load %arg6[%swap3A_73, %swap3A_74, %swap3A_75] {strides = array<i32>} : memref<4x4x128xf32, #tpu.memory_space<vmem>>, vector<16xf32>,
      tpu.vector_store %arg6[%swap3A_73, %swap3A_74, %swap3A_75], %add3A_72 {strides = array<i32>} : memref<4x4x128xf32, #tpu.memory_space<vmem>>, vector<16xf32>,
      %sub3A_77 = arith.subf %add3A_69, %get3A_56 : vector<16xf32>
      %mul3A_78 = arith.mulf %sub3A_77, %mul3A_6 : vector<16xf32>
      %add3A_79 = arith.addf %mul3A_78, %get3A_8 : vector<16xf32>
      %swap3A_80 = arith.constant 1 : i32
      %swap3A_81 = arith.index_cast %select_n3A : i32 to index
      %swap3A_82 = arith.index_cast %swap3A_80 : i32 to index
      %swap3A_83 = arith.index_cast %mul3A_46 : i32 to index
      %swap3A_84 = tpu.vector_load %arg6[%swap3A_81, %swap3A_82, %swap3A_83] {strides = array<i32>} : memref<4x4x128xf32, #tpu.memory_space<vmem>>, vector<16xf32>,
      tpu.vector_store %arg6[%swap3A_81, %swap3A_82, %swap3A_83], %add3A_79 {strides = array<i32>} : memref<4x4x128xf32, #tpu.memory_space<vmem>>, vector<16xf32>,
      %sub3A_85 = arith.subf %add3A_69, %get3A_61 : vector<16xf32>
      %mul3A_86 = arith.mulf %sub3A_85, %mul3A_6 : vector<16xf32>
      %add3A_87 = arith.addf %mul3A_86, %get3A_8 : vector<16xf32>
      %swap3A_88 = arith.constant 2 : i32
      %swap3A_89 = arith.index_cast %select_n3A : i32 to index
      %swap3A_90 = arith.index_cast %swap3A_88 : i32 to index
      %swap3A_91 = arith.index_cast %mul3A_46 : i32 to index
      %swap3A_92 = tpu.vector_load %arg6[%swap3A_89, %swap3A_90, %swap3A_91] {strides = array<i32>} : memref<4x4x128xf32, #tpu.memory_space<vmem>>, vector<16xf32>,
      tpu.vector_store %arg6[%swap3A_89, %swap3A_90, %swap3A_91], %add3A_87 {strides = array<i32>} : memref<4x4x128xf32, #tpu.memory_space<vmem>>, vector<16xf32>,
      %sub3A_93 = arith.subf %add3A_69, %get3A_66 : vector<16xf32>
      %mul3A_94 = arith.mulf %sub3A_93, %mul3A_6 : vector<16xf32>
      %add3A_95 = arith.addf %mul3A_94, %get3A_8 : vector<16xf32>
      %swap3A_96 = arith.constant 3 : i32
      %swap3A_97 = arith.index_cast %select_n3A : i32 to index
      %swap3A_98 = arith.index_cast %swap3A_96 : i32 to index
      %swap3A_99 = arith.index_cast %mul3A_46 : i32 to index
      %swap3A_100 = tpu.vector_load %arg6[%swap3A_97, %swap3A_98, %swap3A_99] {strides = array<i32>} : memref<4x4x128xf32, #tpu.memory_space<vmem>>, vector<16xf32>,
      tpu.vector_store %arg6[%swap3A_97, %swap3A_98, %swap3A_99], %add3A_95 {strides = array<i32>} : memref<4x4x128xf32, #tpu.memory_space<vmem>>, vector<16xf32>,
    }
    %scan3A_13 = arith.constant 32 : i32
    "tpu.region"() ({
      %run_scoped3A = tpu.sem_alloc : memref<!tpu.dma_semaphore, #tpu.memory_space<semaphore_mem>>
      %dma_start3A = arith.constant 0 : i32
      %dma_start3A_14 = arith.constant 0 : i32
      %dma_start3A_15 = tpu.memref_slice %arg5[%mul3A_2, %dma_start3A, %dma_start3A_14] : memref<128x4x128xf32, #tpu.memory_space<hbm>> -> memref<4x4x128xf32, #tpu.memory_space<hbm>>
      %dma_start3A_16 = arith.constant 0 : i32
      %dma_start3A_17 = arith.constant 0 : i32
      %dma_start3A_18 = tpu.memref_slice %arg5[%mul3A_2, %dma_start3A_16, %dma_start3A_17] : memref<128x4x128xf32, #tpu.memory_space<hbm>> -> memref<4x4x128xf32, #tpu.memory_space<hbm>>
      tpu.enqueue_dma source(%arg6 : memref<4x4x128xf32, #tpu.memory_space<vmem>>) target(%dma_start3A_18 : memref<4x4x128xf32, #tpu.memory_space<hbm>>) target_semaphore(%run_scoped3A : memref<!tpu.dma_semaphore, #tpu.memory_space<semaphore_mem>>)
      %dma_wait3A = arith.constant 0 : i32
      %dma_wait3A_19 = arith.constant 0 : i32
      %dma_wait3A_20 = tpu.memref_slice %arg5[%mul3A_2, %dma_wait3A, %dma_wait3A_19] : memref<128x4x128xf32, #tpu.memory_space<hbm>> -> memref<4x4x128xf32, #tpu.memory_space<hbm>>
      %dma_wait3A_21 = arith.constant 0 : i32
      %dma_wait3A_22 = arith.constant 0 : i32
      %dma_wait3A_23 = tpu.memref_slice %arg5[%mul3A_2, %dma_wait3A_21, %dma_wait3A_22] : memref<128x4x128xf32, #tpu.memory_space<hbm>> -> memref<4x4x128xf32, #tpu.memory_space<hbm>>
      tpu.wait_dma2 semaphore(%run_scoped3A : memref<!tpu.dma_semaphore, #tpu.memory_space<semaphore_mem>>) src(%arg6 : memref<4x4x128xf32, #tpu.memory_space<vmem>>) dst(%dma_wait3A_23 : memref<4x4x128xf32, #tpu.memory_space<hbm>>)
      tpu.yield
    }) : () -> ()
    return
  }
}

</mosaic_0001>

<sc_bundles>
// kernel: kernel.3.cloned.1.call-start
scs
__scs_entry_jumppad:
0x0: {  	(pc) =	sbr.rel $0x88, $3  }
0x1: {  	(tag) =	ssettag $0x0;
	lr =	simm.s32 $0x1  }
0x2: {  	[smem:$0x3F9E] =	sst lr;
	_ =	strace $0xD0000000  }
0x3: {  	_ = 	snop  }
0x4: {  	_ = 	snop  }
0x5: {  	_ = 	snop  }
0x6: {  	_ = 	snop  }
0x7: {  	_ = 	snop  }
__scs_overlays_trampoline_lowered:
0x8: {  	[smem:$0x3FAD] =	sst s0  }
0x9: {  	[smem:$0x3FAE] =	sst s1  }
0xa: {  	[smem:$0x3FAF] =	sst s2  }
0xb: {  	[smem:$0x3FB0] =	sst s3  }
0xc: {  	[smem:$0x3FB1] =	sst s4  }
0xd: {  	[smem:$0x3FB2] =	sst s5  }
0xe: {  	[smem:$0x3FB3] =	sst s6  }
0xf: {  	[smem:$0x3FB4] =	sst s7  }
0x10: {  	[smem:$0x3FB5] =	sst s8  }
0x11: {  	[smem:$0x3FB6] =	sst s9;
	s0 =	simm.s32 @!p0 $0x0  }
0x12: {  	s1 =	sld [smem:$0x3F9C];
	s0 =	simm.s32 @p0 $0x1  }
0x13: {  	[smem:$0x3FB7] =	sst s0;
	s0 =	simm.s32 @!p1 $0x0  }
0x14: {  	s2 =	sld [smem:$0x3F9B];
	s0 =	simm.s32 @p1 $0x1  }
0x15: {  	[smem:$0x3FB8] =	sst s0;
	s0 =	simm.s32 @!p2 $0x0  }
0x16: {  	s3 =	sld [smem:$0x3FDB];
	s0 =	simm.s32 @p2 $0x1  }
0x17: {  	s4 =	simm.s32 $0x1BF5;
	[smem:$0x3FBA] =	sst s0  }
0x18: {  	s0 =	sld [smem:$0x3F9D];
	_ =	swait.ge [sflag:s4], $0x0  }
0x19: {  	s7 =	sld [smem:$0x3F9E]  }
0x1a: {  	s8 =	sadd.s32 $0xFFFFE003, lr  }
0x1b: {  	s9 =	sadd.s32 $0xFFFFFEF7, lr;
	s5 =	simm.s32 $0xFFFFFFFF;
	p2 =	slt.u32 s8, $0xFFFFF086  }
0x1c: {  	p1 =	slt.u32 s9, $0xF7A;
	s5 =	simm.s32 @!p2 $0x0  }
0x1d: {  	s5 =	simm.s32 @p1 $0x1;
	p0 =	seq.s32 s7, s2  }
0x1e: {  	s7 =	smul.u32 @!p0 $0xF7A, s2;
	p2 =	seq.s32 @!p0 s5, $0x0  }
0x1f: {  	s9 =	smul.u32 $0xF7A, s1;
	s8 =	simm.s32 @!p0 $0x1BF5;
	p2 =	por !p2, p0  }
0x20: {  	[sflag:s8] =	ssyncset.s32 @!p0 $0xFFFFF086;
	s6 =	sadd.s32 @!p0 s3, s7;
	s7 =	simm.s32 @!p0 $0x108  }
0x21: {  	s3 =	sadd.s32 s3, s9;
	s6 =	sadd.s32 @!p0 $0x88, s6;
	s7 =	simm.s32 @p2 $0x1082  }
0x22: {  	[simem:s7], [sflag:s8] =	dma.local @!p0 [hbm:s6], $0xF7A  }
0x23: {  	s9 =	sor.u32 $0xD0000000, s2;
	s6 =	simm.s32 $0x108;
	_ =	swait.ge @!p0 [sflag:s8], $0x0  }
0x24: {  	s3 =	sadd.s32 $0x88, s3;
	s6 =	simm.s32 @!p1 $0x1082;
	[sflag:s4] =	ssyncset.s32 $0xFFFFF086  }
0x25: {  	[simem:s6], [sflag:s4] =	dma.local [hbm:s3], $0xF7A  }
0x26: {  	[smem:$0x3F9E] =	sst s1;
	(tag) =	ssettag s2;
	_ =	strace s9  }
0x27: {  	s1 =	sld [smem:$0x3FAE]  }
0x28: {  	s2 =	sld [smem:$0x3FAF]  }
0x29: {  	s4 =	sld [smem:$0x3FB1]  }
0x2a: {  	p0 =	seq.s32 s5, $0x0;
	s5 =	sld [smem:$0x3FB2]  }
0x2b: {  	s6 =	sld [smem:$0x3FB3]  }
0x2c: {  	s7 =	sld [smem:$0x3FB4]  }
0x2d: {  	s3 =	simm.s32 $0x108;
	s8 =	sld [smem:$0x3FB5]  }
0x2e: {  	s3 =	simm.s32 @!p0 $0x1082;
	s9 =	sld [smem:$0x3FB6]  }
0x2f: {  	lr =	sadd.s32 s0, s3;
	s0 =	sld [smem:$0x3FAD]  }
0x30: {  	s3 =	sld [smem:$0x3FB0]  }
0x31: {  	[smem:$0x3FB9] =	sst s10  }
0x32: {  	s10 =	sld [smem:$0x3FB7];
	_ =	sdelay $0x3  }
0x33: {  	p0 =	seq.s32 s10, $0x1;
	s10 =	sld [smem:$0x3FB9];
	_ =	sdelay $0x3  }
0x34: {  	[smem:$0x3FB9] =	sst s10  }
0x35: {  	s10 =	sld [smem:$0x3FB8];
	_ =	sdelay $0x3  }
0x36: {  	p1 =	seq.s32 s10, $0x1;
	s10 =	sld [smem:$0x3FB9];
	_ =	sdelay $0x3  }
0x37: {  	[smem:$0x3FB9] =	sst s10  }
0x38: {  	s10 =	sld [smem:$0x3FBA]  }
0x39: {  	_ = 	snop;
	(pc) =	sbr.ind lr, $3  }
0x3a: {  	_ = 	snop  }
0x3b: {  	_ = 	snop  }
0x3c: {  	p2 =	seq.s32 s10, $0x1;
	s10 =	sld [smem:$0x3FB9]  }
0x3d: {  	_ =	shalt  }
0x3e: {  	_ =	shalt  }
0x3f: {  	_ =	shalt  }
0x40: {  	_ =	shalt  }
0x41: {  	_ =	shalt  }
0x42: {  	_ =	shalt  }
0x43: {  	_ =	shalt  }
0x44: {  	_ =	shalt  }
0x45: {  	_ =	shalt  }
0x46: {  	_ =	shalt  }
0x47: {  	_ =	shalt  }
0x48: {  	_ =	shalt  }
0x49: {  	_ =	shalt  }
0x4a: {  	_ =	shalt  }
0x4b: {  	_ =	shalt  }
0x4c: {  	_ =	shalt  }
0x4d: {  	_ =	shalt  }
0x4e: {  	_ =	shalt  }
0x4f: {  	_ =	shalt  }
0x50: {  	_ =	shalt  }
0x51: {  	_ =	shalt  }
0x52: {  	_ =	shalt  }
0x53: {  	_ =	shalt  }
0x54: {  	_ =	shalt  }
0x55: {  	_ =	shalt  }
0x56: {  	_ =	shalt  }
0x57: {  	_ =	shalt  }
0x58: {  	_ =	shalt  }
0x59: {  	_ =	shalt  }
0x5a: {  	_ =	shalt  }
0x5b: {  	_ =	shalt  }
0x5c: {  	_ =	shalt  }
0x5d: {  	_ =	shalt  }
0x5e: {  	_ =	shalt  }
0x5f: {  	_ =	shalt  }
0x60: {  	_ =	shalt  }
0x61: {  	_ =	shalt  }
0x62: {  	_ =	shalt  }
0x63: {  	_ =	shalt  }
0x64: {  	_ =	shalt  }
0x65: {  	_ =	shalt  }
0x66: {  	_ =	shalt  }
0x67: {  	_ =	shalt  }
0x68: {  	_ =	shalt  }
0x69: {  	_ =	shalt  }
0x6a: {  	_ =	shalt  }
0x6b: {  	_ =	shalt  }
0x6c: {  	_ =	shalt  }
0x6d: {  	_ =	shalt  }
0x6e: {  	_ =	shalt  }
0x6f: {  	_ =	shalt  }
0x70: {  	_ =	shalt  }
0x71: {  	_ =	shalt  }
0x72: {  	_ =	shalt  }
0x73: {  	_ =	shalt  }
0x74: {  	_ =	shalt  }
0x75: {  	_ =	shalt  }
0x76: {  	_ =	shalt  }
0x77: {  	_ =	shalt  }
0x78: {  	_ =	shalt  }
0x79: {  	_ =	shalt  }
0x7a: {  	_ =	shalt  }
0x7b: {  	_ =	shalt  }
0x7c: {  	_ =	shalt  }
0x7d: {  	_ =	shalt  }
0x7e: {  	_ =	shalt  }
0x7f: {  	_ =	shalt  }
0x80: {  	_ =	shalt  }
0x81: {  	_ =	shalt  }
0x82: {  	_ =	shalt  }
0x83: {  	_ =	shalt  }
0x84: {  	_ =	shalt  }
0x85: {  	_ =	shalt  }
0x86: {  	_ =	shalt  }
0x87: {  	_ =	shalt  }
.Lfunc_end0:
.L_simem_size_0:
called_computation_lowered:
.L_overlay_start_0:
0x88: {  	s2 =	sld [smem:$0x3FD9]  }
0x89: {  	s3 =	sld [smem:$0x3FFE];
	_ =	sdelay $0x1  }
0x8a: {  	s1 =	srdreg.scid  }
0x8b: {  	s0 =	sand.u32 $0x1, s1  }
0x8c: {  	s17 =	sshll.u32 s0, $0xA;
	s2 =	sadd.s32 s3, s2  }
0x8d: {  	s2 =	sadd.s32 s2, s17  }
0x8e: {  	[smem:$0x3FC5] =	sst s2  }
0x8f: {  	_ = 	snop  }
0x90: {  	s2 =	sld [smem:$0x3FC9]  }
0x91: {  	s18 =	sld [smem:$0x3FD0];
	(tm) =	ssettm $0x1  }
0x92: {  	s4 =	sld [smem:$0x3FFB];
	_ =	sdelay $0x3  }
0x93: {  	_ =	strace s4  }
0x94: {  	s4 =	sld [smem:$0x3FFC];
	_ =	sdelay $0x3  }
0x95: {  	_ =	strace s4  }
0x96: {  	s4 =	sld [smem:$0x3FFD];
	_ =	sdelay $0x3  }
0x97: {  	_ =	strace s4  }
0x98: {  	_ =	strace $0x8FFFFFFF  }
0x99: {  	s19 =	sld [smem:$0x3FDB];
	_ =	sdelay $0x1  }
0x9a: {  	s5 =	simm.s32 $_scs_section_size  }
0x9b: {  	s6 =	simm.s32 $_size__tile_overlayer_lowered;
	s7 =	simm.s32 $_tile_overlayer_lowered  }
0x9c: {  	s22 =	simm.s32 $0x1BFF;
	s21 =	sshll.u32 s7, $0x1;
	s4 =	sadd.s32 s5, s19  }
0x9d: {  	s8 =	simm.s32 $0x0;
	s20 =	sshll.u32 s6, $0x1;
	s6 =	sadd.s32 s21, s4  }
0x9e: {  	[timem:s8], [sflag:s22] =	dma.local [hbm:s6], s20  }
0x9f: {  	_ =	swait.ge [sflag:s22], s20  }
0xa0: {  	s5 =	ssub.s32 $0x0, s20;
	[sflag:s22] =	ssyncset.done $0x0  }
0xa1: {  	[sflag:s22] =	ssyncadd.s32 s5;
	_ =	sdelay $0x1  }
0xa2: {  	s23 =	simm.s32 $0x1B8B  }
0xa3: {  	_ =	swait.ge [sflag:s23], $0x1  }
0xa4: {  	[sflag:s23] =	ssyncset.done $0x0  }
0xa5: {  	s25 =	simm.s32 $0x1B8E;
	s24 =	sld [smem:$0x3FFE];
	[sflag:s23] =	ssyncadd.s32 $0xFFFFFFFF  }
0xa6: {  	s26 =	simm.s32 $execute0_lowered;
	[smem:$0x3FD2] =	sst s25  }
0xa7: {  	s6 =	sshll.u32 s26, $0x1;
	_ =	strace $0x80000046;
	[dreg:$0x1] =	wrdreg $0xFFFFFFFF  }
0xa8: {  	s28 =	simm.s32 $_size_execute0_lowered;
	s4 =	sadd.s32 s4, s6;
	[dreg:$0x0] =	wrdreg $0x0  }
0xa9: {  	s6 =	sshll.u32 s28, $0x1;
	[dreg:$0x2] =	wrdreg s4  }
0xaa: {  	[dreg:$0x3] =	wrdreg s6  }
0xab: {  	[dreg:$0x4] =	wrdreg $0xC0  }
0xac: {  	_ =	task [dreg:s8], $0x5FFFF  }
0xad: {  	[dreg:$0x1] =	wrdreg $0xFFFFFFFF  }
0xae: {  	[dreg:$0x0] =	wrdreg $0x60  }
0xaf: {  	[dreg:$0x2] =	wrdreg s2  }
0xb0: {  	[dreg:$0x3] =	wrdreg s24  }
0xb1: {  	[dreg:$0x4] =	wrdreg s18  }
0xb2: {  	[dreg:$0x5] =	wrdreg $0x9  }
0xb3: {  	_ =	task.clear_ibuf [dreg:s8], $0x6FFFF;
	_ =	strace $0x90000046  }
0xb4: {  	s29 =	simm.s32 $0x9;
	_ =	strace $0x80000048  }
0xb5: {  	_ =	swait.ge [sflag:s29], $0x1  }
0xb6: {  	[sflag:s29] =	ssyncadd.s32 $0xFFFFFFFF  }
0xb7: {  	_ =	strace $0x90000048  }
0xb8: {  	_ =	sfence  }
0xb9: {  	s30 =	sld [smem:$0x0];
	_ =	sdelay $0x2  }
0xba: {  	s31 =	sshll.u32 s1, $0xD;
	s1 =	sshrl.u32 s1, $0x2  }
0xbb: {  	s3 =	sand.u32 $0x4000, s31;
	s1 =	sadd.s32 s1, s30  }
0xbc: {  	s0 =	sor.u32 s3, s0;
	s1 =	sshll.u32 s1, $0x11  }
0xbd: {  	s0 =	sor.u32 s1, s0  }
0xbe: {  	s0 =	sadd.s32 $0x8F2B, s0  }
0xbf: {  	[sflag:s0] =	ssyncadd.remote.s32 $0x1  }
0xc0: {  	_ =	sfence.sel $0xFFFF  }
0xc1: {  	[dreg:$0x0] =	wrdreg $0xFFFFFFFF;
	(pc) =	sbr.abs _section_cstart, $3  }
0xc2: {  	[dreg:$0x1] =	wrdreg $0xFFFFFFFF  }
0xc3: {  	_ =	task.clear_ibuf [dreg:s8], $0x2FFFF;
	_ =	strace $0x9FFFFFFF  }
0xc4: {  	(tm) =	ssettm $0x7FFFFFFF  }
0xc5: {  	_ =	shalt  }
tec
execute0_lowered:
.L_overlay_start_1:
0x0: {  	(tag) =	ssettag $0x1  }
0x1: {  	s5 =	rddreg [dreg:$0x0]  }
0x2: {  	s4 =	rddreg [dreg:$0x1]  }
0x3: {  	s6 =	rddreg [dreg:$0x2]  }
0x4: {  	s0 =	rddreg [dreg:$0x3]  }
0x5: {  	s2 =	simm.s32 $0x0;
	s3 =	srdreg.scid;
	s1 =	stileid.u32  }
0x6: {  	s11 =	simm.s32 $0x0;
	[smem:$0x7FF] =	sst s2;
	s3 =	sand.u32 $0x1, s3  }
0x7: {  	s8 =	sshll.u32 s1, $0x9;
	_ =	strace $0x80000047;
	s7 =	ssub.s32 $0x2, s3  }
0x8: {  	s9 =	sshll.u32 s3, $0x8;
	s3 =	sadd.s32 $0x600, s4;
	s4 =	sadd.s32 $0x800, s4  }
0x9: {  	s10 =	sshrl.u32 s7, $0x1;
	s8 =	sor.u32 s9, s8;
	s9 =	simm.s32 $0x800  }
0xa: {  	s7 =	ssub.s32 s7, s10;
	s5 =	sadd.s32 s5, s8;
	s6 =	sadd.s32 s6, s8  }
0xb: {  	s8 =	simm.s32 $0x1;
	s10 =	simm.s32 $0x880;
	s7 =	smax.u32 s7, $0x1  }
.LBB2_1:
0xc: {  	[tilespmem:s2], [sflag:$0x1] =	stream.linear.gather [hbm4b:s5+s2], $0x800, $0x38;
	[tilespmem:$0x900] =	vst v63  }
0xd: {  	_ =	swait.ge [sflag:s8], $0x800  }
0xe: {  	[sflag:s8] =	ssyncset.done $0x0  }
0xf: {  	[sflag:s8] =	ssyncadd.s32 $0xFFFFF800  }
0x10: {  	[tilespmem:s9], [sflag:$0x1] =	stream.linear.gather [hbm4b:s3+s2], $0x80, $0x38;
	[tilespmem:$0x900] =	vst v63  }
0x11: {  	_ =	swait.ge [sflag:s8], $0x80  }
0x12: {  	[sflag:s8] =	ssyncset.done $0x0  }
0x13: {  	[sflag:s8] =	ssyncadd.s32 $0xFFFFFF80  }
0x14: {  	[tilespmem:s10], [sflag:$0x1] =	stream.linear.gather [hbm4b:s4+s2], $0x80, $0x38;
	[tilespmem:$0x900] =	vst v63  }
0x15: {  	_ =	swait.ge [sflag:s8], $0x80  }
0x16: {  	s12 =	sand.u32 $0x70, s2;
	s13 =	sand.u32 $0x600, s2;
	[sflag:s8] =	ssyncset.done $0x0  }
0x17: {  	s12 =	sor.u32 s12, s13;
	[sflag:s8] =	ssyncadd.s32 $0xFFFFFF80  }
0x18: {  	v1 =	vld [tilespmem:s12+$0x0]  }
0x19: {  	v2 =	vld [tilespmem:s12+$0x80]  }
0x1a: {  	v3 =	vld [tilespmem:s12+$0x100]  }
0x1b: {  	v4 =	vld [tilespmem:s12+$0x180];
	_ =	sdelay $0x3  }
0x1c: {  	v0 =	vld [tilespmem:$0x800]  }
0x1d: {  	v5 =	vadd.f32 v2, v1;
	v6 =	vadd.f32 v4, v3;
	_ =	sdelay $0x1  }
0x1e: {  	v5 =	vadd.f32 v6, v5;
	_ =	sdelay $0x1  }
0x1f: {  	v0 =	vmul.f32 $3.333333430e-01, v0;
	v6 =	vsub.f32 v5, v1;
	v2 =	vsub.f32 v5, v2;
	v1 =	vld [tilespmem:$0x880]  }
0x20: {  	v3 =	vsub.f32 v5, v3  }
0x21: {  	s14 =	simm.s32 $0x0;
	s13 =	simm.s32 $0x40;
	v5 =	vsub.f32 v5, v4;
	v4 =	vmul.f32 v6, v0;
	v2 =	vmul.f32 v2, v0  }
.LBB2_2:
0x22: {  	p0 =	sne.s32 s13, $0x7C0  }
0x23: {  	v3 =	vmul.f32 v3, v0;
	v5 =	vmul.f32 v5, v0;
	s14 =	sadd.s32 $0x10, s14;
	s15 =	smov.u32 s13;
	s13 =	sadd.s32 $0x40, s13  }
0x24: {  	v4 =	vadd.f32 v4, v1;
	v2 =	vadd.f32 v2, v1  }
0x25: {  	s16 =	sand.u32 $0x70, s14;
	s15 =	sand.u32 $0x600, s15;
	v3 =	vadd.f32 v3, v1;
	v5 =	vadd.f32 v5, v1  }
0x26: {  	s15 =	sor.u32 s16, s15;
	[tilespmem:s12+$0x0] =	vst v4  }
0x27: {  	v4 =	vld [tilespmem:s15+$0x0];
	[tilespmem:s12+$0x80] =	vst v2  }
0x28: {  	v2 =	vld [tilespmem:s15+$0x80];
	[tilespmem:s12+$0x100] =	vst v3  }
0x29: {  	v3 =	vld [tilespmem:s15+$0x100];
	[tilespmem:s12+$0x180] =	vst v5;
	s12 =	smov.u32 s15  }
0x2a: {  	v5 =	vld [tilespmem:s12+$0x180];
	_ =	sdelay $0x2  }
0x2b: {  	v6 =	vadd.f32 v2, v4;
	_ =	sdelay $0x1  }
0x2c: {  	v7 =	vadd.f32 v5, v3;
	_ =	sdelay $0x1  }
.Ltmp0:
0x2d: {  	v6 =	vadd.f32 v7, v6;
	(pc) =	sbr.rel @p0 .LBB2_2-.Ltmp0, $4  }
0x2e: {  	_ = 	snop  }
0x2f: {  	v4 =	vsub.f32 v6, v4;
	v2 =	vsub.f32 v6, v2  }
0x30: {  	v3 =	vsub.f32 v6, v3;
	v5 =	vsub.f32 v6, v5  }
0x31: {  	v4 =	vmul.f32 v4, v0;
	v2 =	vmul.f32 v2, v0  }
0x32: {  	_ = 	snop  }
0x33: {  	v3 =	vmul.f32 v3, v0;
	v4 =	vadd.f32 v4, v1  }
0x34: {  	v63 =	vmul.f32 v5, v0;
	v2 =	vadd.f32 v2, v1  }
0x35: {  	v3 =	vadd.f32 v3, v1;
	[tilespmem:s12+$0x0] =	vst v4  }
0x36: {  	s11 =	sadd.s32 $0x1, s11;
	v0 =	vadd.f32 v63, v1;
	[tilespmem:s12+$0x80] =	vst v2  }
0x37: {  	p0 =	sne.s32 s11, s7;
	[tilespmem:s12+$0x100] =	vst v3  }
.Ltmp1:
0x38: {  	[tilespmem:s12+$0x180] =	vst v0;
	(pc) =	sbr.rel @p0 .LBB2_1-.Ltmp1, $4  }
0x39: {  	[hbm4b:s6+s2] =	stream.linear.scatter [tilespmem:s2], [sflag:$0x1], $0x800, $0x38;
	[tilespmem:$0x900] =	vst v63  }
0x3a: {  	_ =	swait.ge [sflag:s8], $0x800  }
0x3b: {  	[sflag:s8] =	ssyncset.done $0x0  }
0x3c: {  	[sflag:s8] =	ssyncadd.s32 $0xFFFFF800  }
0x3d: {  	_ =	sfence.sel $0x180000  }
0x3e: {  	[bflag:$0x0] =	sbarrier.arrive $0xFFFF  }
0x3f: {  	p0 =	sne.s32 s1, $0x0;
	_ =	strace $0x90000047  }
0x40: {  	s0 =	sadd.s32 @!p0 $0x100000, s0;
	[bflag:$0x2] =	sbarrier.arrive $0xFFFF  }
0x41: {  	[sflag:s0] =	ssyncadd.tile.s32 @!p0 $0x1;
	_ =	shalt  }
.Lfunc_end2:
_tile_overlayer_lowered:
.L_overlay_start_2:
0x42: {  	(tag) =	ssettag $0x2  }
0x43: {  	s0 =	rddreg [dreg:$0x0];
	s2 =	stileid.u32  }
0x44: {  	s1 =	rddreg [dreg:$0x1];
	p0 =	sne.s32 s2, $0x0  }
0x45: {  	s3 =	rddreg [dreg:$0x2];
	[bflag:$0x3] =	sbarrier.arrive $0xFFFF;
	s2 =	simm.s32 @!p0 $0x1C01  }
0x46: {  	[timem:s3], [sflag:s2] =	dma.local @!p0 [hbm:s0], s1  }
0x47: {  	s0 =	simm.s32 @!p0 $0x1  }
0x48: {  	_ =	swait.ge @!p0 [sflag:s0], s1  }
0x49: {  	s1 =	ssub.s32 @!p0 $0x0, s1;
	[sflag:s0] =	ssyncset.done @!p0 $0x0  }
0x4a: {  	[sflag:s0] =	ssyncadd.s32 @!p0 s1  }
0x4b: {  	[bflag:$0x3] =	sbarrier.arrive $0xFFFF  }
0x4c: {  	_ =	shalt  }

</sc_bundles>
